<compile_context>
chip_gen: v7x
topology: tpu7x:2x2x1
jax: 0.10.2.dev20260603
libtpu: 0.0.44.dev20260713+nightly
codegen_flags: <defaults>
</compile_context>

<pallas_src>
import functools

import jax
import jax.numpy as jnp
from jax import lax
from jax.experimental import pallas as pl
from jax.experimental.pallas import tpu as pltpu
from jax.experimental.pallas import tpu_sc as plsc

_N_BINS = 10
_N = 4194304
_NC = 2
_NS = 16
_NW = _NC * _NS
_L = 16
_PER_W = _N // _NW
_CHUNK = 16384
_ROWS = 16
_ACC = _ROWS * _L


def _ece_body(logits_hbm, corr_hbm, bounds_hbm, out_conf, out_cnt,
              lbuf, cbuf, bvmem, acc_f, acc_q):
    wid = lax.axis_index("s") * _NC + lax.axis_index("c")
    base = wid * _PER_W

    pltpu.sync_copy(bounds_hbm, bvmem)
    zf = jnp.zeros((_L,), jnp.float32)
    zi = jnp.zeros((_L,), jnp.int32)
    for r in range(_ROWS):
        acc_f[pl.ds(r * _L, _L)] = zf
        acc_q[pl.ds(r * _L, _L)] = zi
    lane = lax.iota(jnp.int32, _L)
    bvec = bvmem[...]

    def vec_body(v, carry):
        off = v * _L
        l = lbuf[pl.ds(off, _L)]
        c = cbuf[pl.ds(off, _L)]
        j = (l * 10.0).astype(jnp.int32)
        glo = bvec.at[j].get(mode="promise_in_bounds")
        ghi = bvec.at[j + 1].get(mode="promise_in_bounds")
        row = (j + 1
               - jnp.where(l <= glo, 1, 0)
               + jnp.where(l > ghi, 1, 0))
        flat = row * _L + lane
        q = c * 16384 + 1
        plsc.addupdate_scatter(acc_f, [flat], l)
        plsc.addupdate_scatter(acc_q, [flat], q)
        return carry

    def chunk_body(ci, carry):
        start = base + ci * _CHUNK
        pltpu.sync_copy(logits_hbm.at[pl.ds(start, _CHUNK)], lbuf)
        pltpu.sync_copy(corr_hbm.at[pl.ds(start, _CHUNK)], cbuf)
        lax.fori_loop(0, _CHUNK // _L, vec_body, carry, unroll=4)
        return carry

    lax.fori_loop(0, _PER_W // _CHUNK, chunk_body, 0)

    pltpu.sync_copy(acc_f, out_conf.at[wid])
    pltpu.sync_copy(acc_q, out_cnt.at[wid])


@jax.jit
def _ece_sc(logits, corr, bounds):
    run = pl.kernel(
        _ece_body,
        out_type=(
            jax.ShapeDtypeStruct((_NW, _ACC), jnp.float32),
            jax.ShapeDtypeStruct((_NW, _ACC), jnp.int32),
        ),
        mesh=plsc.VectorSubcoreMesh(core_axis_name="c", subcore_axis_name="s"),
        compiler_params=pltpu.CompilerParams(needs_layout_passes=False),
        scratch_types=[
            pltpu.VMEM((_CHUNK,), jnp.float32),
            pltpu.VMEM((_CHUNK,), jnp.int32),
            pltpu.VMEM((_L,), jnp.float32),
            pltpu.VMEM((_ACC,), jnp.float32),
            pltpu.VMEM((_ACC,), jnp.int32),
        ],
    )
    return run(logits, corr, bounds)


def kernel(logits, correctness):
    corr = correctness.astype(jnp.int32)
    bounds = jnp.concatenate(
        [jnp.linspace(0.0, 1.0, _N_BINS + 1).astype(jnp.float32),
         jnp.full((5,), 2.0, jnp.float32)])
    conf_p, q_p = _ece_sc(logits, corr, bounds)

    conf_p = conf_p.reshape(_NW, _ROWS, _L)
    q_p = q_p.reshape(_NW, _ROWS, _L)
    sum_conf = jnp.sum(conf_p, axis=(0, 2))[1:_N_BINS + 1]
    cnt = jnp.sum((q_p & 16383).astype(jnp.float32), axis=(0, 2))[1:_N_BINS + 1]
    sum_acc = jnp.sum((q_p >> 14).astype(jnp.float32), axis=(0, 2))[1:_N_BINS + 1]

    total = jnp.float32(_N)
    prop = cnt / total
    safe = jnp.maximum(cnt, 1.0)
    acc_in = sum_acc / safe
    conf_in = sum_conf / safe
    contrib = jnp.abs(conf_in - acc_in) * prop
    ece = jnp.sum(jnp.where(cnt > 0, contrib, 0.0))
    return ece.reshape(1)

# --- scband reference (transcript-rebuilt; emitter-appended) ---
"""Pipeline reference for scband-e-eceloss-17343077941754 (READ-ONLY COPY).

The authoritative reference and input builder live on the scoring server;
editing this copy changes nothing except your own understanding.
"""

import jax, jax.numpy as jnp
import numpy as np

N_BINS = 10
N = 4194304

def setup_inputs(seed: int = 0) -> dict:
    key = jax.random.key(seed)
    k1, k2 = jax.random.split(key)
    logits = jax.random.uniform(k1, (N,), dtype=jnp.float32)
    correctness = jax.random.randint(k2, (N,), 0, 2, dtype=jnp.int64)
    return {"logits": logits, "correctness": correctness}

def reference(logits, correctness):
    bin_boundaries = jnp.linspace(0.0, 1.0, N_BINS + 1)
    bin_lowers = bin_boundaries[:-1]
    bin_uppers = bin_boundaries[1:]
    accuracies = correctness.astype(jnp.float32)
    total = jnp.float32(logits.size)
    ece = jnp.zeros(1, dtype=jnp.float32)
    for i in range(N_BINS):
        bin_lower = bin_lowers[i]
        bin_upper = bin_uppers[i]
        in_bin = (logits > bin_lower) & (logits <= bin_upper)
        mask = in_bin.astype(jnp.float32)
        count = jnp.sum(mask)
        prop_in_bin = count / total
        safe_count = jnp.maximum(count, 1.0)
        accuracy_in_bin = jnp.sum(accuracies * mask) / safe_count
        avg_confidence_in_bin = jnp.sum(logits * mask) / safe_count
        contrib = jnp.abs(avg_confidence_in_bin - accuracy_in_bin) * prop_in_bin
        ece = ece + jnp.where(count > 0, contrib, 0.0)
    return ece

if __name__ == "__main__":
    import jax
    _d = setup_inputs()
    print(jax.jit(kernel)(*tuple(_d.values())))

</pallas_src>

<mosaic_0001>
#map = affine_map<(d0, d1) -> (0)>
#map1 = affine_map<(d0, d1) -> (0, 0)>
module attributes {stable_mosaic.version = 14 : i64} {
  func.func @_ece_body(%arg0: i32, %arg1: i32, %arg2: memref<4194304xf32, #tpu.memory_space<hbm>>, %arg3: memref<4194304xi32, #tpu.memory_space<hbm>>, %arg4: memref<16xf32, #tpu.memory_space<hbm>>, %arg5: memref<32x256xf32, #tpu.memory_space<hbm>>, %arg6: memref<32x256xi32, #tpu.memory_space<hbm>>, %arg7: memref<16384xf32, #tpu.memory_space<vmem>>, %arg8: memref<16384xi32, #tpu.memory_space<vmem>>, %arg9: memref<16xf32, #tpu.memory_space<vmem>>, %arg10: memref<256xf32, #tpu.memory_space<vmem>>, %arg11: memref<256xi32, #tpu.memory_space<vmem>>) attributes {dimension_semantics = [#tpu.dimension_semantics<core_parallel>, #tpu.dimension_semantics<subcore_parallel>], iteration_bounds = array<i64: 2, 16>, scalar_prefetch = 0 : i64, scratch_operands = 5 : i64, tpu.core_type = #tpu.core_type<sc_vector_subcore>, window_params = [{transform_indices = #map}, {transform_indices = #map}, {transform_indices = #map}, {transform_indices = #map1}, {transform_indices = #map1}]} {
    %mul3A = arith.constant 2 : i32
    %mul3A_0 = arith.muli %arg1, %mul3A : i32
    %add3A = arith.addi %mul3A_0, %arg0 : i32
    %mul3A_1 = arith.constant 131072 : i32
    %mul3A_2 = arith.muli %add3A, %mul3A_1 : i32
    "tpu.region"() ({
      %run_scoped3A = tpu.sem_alloc : memref<!tpu.dma_semaphore, #tpu.memory_space<semaphore_mem>>
      tpu.enqueue_dma source(%arg4 : memref<16xf32, #tpu.memory_space<hbm>>) target(%arg9 : memref<16xf32, #tpu.memory_space<vmem>>) target_semaphore(%run_scoped3A : memref<!tpu.dma_semaphore, #tpu.memory_space<semaphore_mem>>)
      tpu.wait_dma2 semaphore(%run_scoped3A : memref<!tpu.dma_semaphore, #tpu.memory_space<semaphore_mem>>) src(%arg4 : memref<16xf32, #tpu.memory_space<hbm>>) dst(%arg9 : memref<16xf32, #tpu.memory_space<vmem>>)
      tpu.yield
    }) : () -> ()
    %broadcast_in_dim3A = arith.constant 0.000000e+00 : f32
    %broadcast_in_dim3A_3 = vector.broadcast %broadcast_in_dim3A : f32 to vector<16xf32>
    %broadcast_in_dim3A_4 = arith.constant 0 : i32
    %broadcast_in_dim3A_5 = vector.broadcast %broadcast_in_dim3A_4 : i32 to vector<16xi32>
    %swap3A = arith.constant 0 : index
    %swap3A_6 = tpu.vector_load %arg10[%swap3A] {strides = array<i32>} : memref<256xf32, #tpu.memory_space<vmem>>, vector<16xf32>,
    tpu.vector_store %arg10[%swap3A], %broadcast_in_dim3A_3 {strides = array<i32>} : memref<256xf32, #tpu.memory_space<vmem>>, vector<16xf32>,
    %swap3A_7 = arith.constant 0 : index
    %swap3A_8 = tpu.vector_load %arg11[%swap3A_7] {strides = array<i32>} : memref<256xi32, #tpu.memory_space<vmem>>, vector<16xi32>,
    tpu.vector_store %arg11[%swap3A_7], %broadcast_in_dim3A_5 {strides = array<i32>} : memref<256xi32, #tpu.memory_space<vmem>>, vector<16xi32>,
    %swap3A_9 = arith.constant 16 : index
    %swap3A_10 = tpu.vector_load %arg10[%swap3A_9] {strides = array<i32>} : memref<256xf32, #tpu.memory_space<vmem>>, vector<16xf32>,
    tpu.vector_store %arg10[%swap3A_9], %broadcast_in_dim3A_3 {strides = array<i32>} : memref<256xf32, #tpu.memory_space<vmem>>, vector<16xf32>,
    %swap3A_11 = arith.constant 16 : index
    %swap3A_12 = tpu.vector_load %arg11[%swap3A_11] {strides = array<i32>} : memref<256xi32, #tpu.memory_space<vmem>>, vector<16xi32>,
    tpu.vector_store %arg11[%swap3A_11], %broadcast_in_dim3A_5 {strides = array<i32>} : memref<256xi32, #tpu.memory_space<vmem>>, vector<16xi32>,
    %swap3A_13 = arith.constant 32 : index
    %swap3A_14 = tpu.vector_load %arg10[%swap3A_13] {strides = array<i32>} : memref<256xf32, #tpu.memory_space<vmem>>, vector<16xf32>,
    tpu.vector_store %arg10[%swap3A_13], %broadcast_in_dim3A_3 {strides = array<i32>} : memref<256xf32, #tpu.memory_space<vmem>>, vector<16xf32>,
    %swap3A_15 = arith.constant 32 : index
    %swap3A_16 = tpu.vector_load %arg11[%swap3A_15] {strides = array<i32>} : memref<256xi32, #tpu.memory_space<vmem>>, vector<16xi32>,
    tpu.vector_store %arg11[%swap3A_15], %broadcast_in_dim3A_5 {strides = array<i32>} : memref<256xi32, #tpu.memory_space<vmem>>, vector<16xi32>,
    %swap3A_17 = arith.constant 48 : index
    %swap3A_18 = tpu.vector_load %arg10[%swap3A_17] {strides = array<i32>} : memref<256xf32, #tpu.memory_space<vmem>>, vector<16xf32>,
    tpu.vector_store %arg10[%swap3A_17], %broadcast_in_dim3A_3 {strides = array<i32>} : memref<256xf32, #tpu.memory_space<vmem>>, vector<16xf32>,
    %swap3A_19 = arith.constant 48 : index
    %swap3A_20 = tpu.vector_load %arg11[%swap3A_19] {strides = array<i32>} : memref<256xi32, #tpu.memory_space<vmem>>, vector<16xi32>,
    tpu.vector_store %arg11[%swap3A_19], %broadcast_in_dim3A_5 {strides = array<i32>} : memref<256xi32, #tpu.memory_space<vmem>>, vector<16xi32>,
    %swap3A_21 = arith.constant 64 : index
    %swap3A_22 = tpu.vector_load %arg10[%swap3A_21] {strides = array<i32>} : memref<256xf32, #tpu.memory_space<vmem>>, vector<16xf32>,
    tpu.vector_store %arg10[%swap3A_21], %broadcast_in_dim3A_3 {strides = array<i32>} : memref<256xf32, #tpu.memory_space<vmem>>, vector<16xf32>,
    %swap3A_23 = arith.constant 64 : index
    %swap3A_24 = tpu.vector_load %arg11[%swap3A_23] {strides = array<i32>} : memref<256xi32, #tpu.memory_space<vmem>>, vector<16xi32>,
    tpu.vector_store %arg11[%swap3A_23], %broadcast_in_dim3A_5 {strides = array<i32>} : memref<256xi32, #tpu.memory_space<vmem>>, vector<16xi32>,
    %swap3A_25 = arith.constant 80 : index
    %swap3A_26 = tpu.vector_load %arg10[%swap3A_25] {strides = array<i32>} : memref<256xf32, #tpu.memory_space<vmem>>, vector<16xf32>,
    tpu.vector_store %arg10[%swap3A_25], %broadcast_in_dim3A_3 {strides = array<i32>} : memref<256xf32, #tpu.memory_space<vmem>>, vector<16xf32>,
    %swap3A_27 = arith.constant 80 : index
    %swap3A_28 = tpu.vector_load %arg11[%swap3A_27] {strides = array<i32>} : memref<256xi32, #tpu.memory_space<vmem>>, vector<16xi32>,
    tpu.vector_store %arg11[%swap3A_27], %broadcast_in_dim3A_5 {strides = array<i32>} : memref<256xi32, #tpu.memory_space<vmem>>, vector<16xi32>,
    %swap3A_29 = arith.constant 96 : index
    %swap3A_30 = tpu.vector_load %arg10[%swap3A_29] {strides = array<i32>} : memref<256xf32, #tpu.memory_space<vmem>>, vector<16xf32>,
    tpu.vector_store %arg10[%swap3A_29], %broadcast_in_dim3A_3 {strides = array<i32>} : memref<256xf32, #tpu.memory_space<vmem>>, vector<16xf32>,
    %swap3A_31 = arith.constant 96 : index
    %swap3A_32 = tpu.vector_load %arg11[%swap3A_31] {strides = array<i32>} : memref<256xi32, #tpu.memory_space<vmem>>, vector<16xi32>,
    tpu.vector_store %arg11[%swap3A_31], %broadcast_in_dim3A_5 {strides = array<i32>} : memref<256xi32, #tpu.memory_space<vmem>>, vector<16xi32>,
    %swap3A_33 = arith.constant 112 : index
    %swap3A_34 = tpu.vector_load %arg10[%swap3A_33] {strides = array<i32>} : memref<256xf32, #tpu.memory_space<vmem>>, vector<16xf32>,
    tpu.vector_store %arg10[%swap3A_33], %broadcast_in_dim3A_3 {strides = array<i32>} : memref<256xf32, #tpu.memory_space<vmem>>, vector<16xf32>,
    %swap3A_35 = arith.constant 112 : index
    %swap3A_36 = tpu.vector_load %arg11[%swap3A_35] {strides = array<i32>} : memref<256xi32, #tpu.memory_space<vmem>>, vector<16xi32>,
    tpu.vector_store %arg11[%swap3A_35], %broadcast_in_dim3A_5 {strides = array<i32>} : memref<256xi32, #tpu.memory_space<vmem>>, vector<16xi32>,
    %swap3A_37 = arith.constant 128 : index
    %swap3A_38 = tpu.vector_load %arg10[%swap3A_37] {strides = array<i32>} : memref<256xf32, #tpu.memory_space<vmem>>, vector<16xf32>,
    tpu.vector_store %arg10[%swap3A_37], %broadcast_in_dim3A_3 {strides = array<i32>} : memref<256xf32, #tpu.memory_space<vmem>>, vector<16xf32>,
    %swap3A_39 = arith.constant 128 : index
    %swap3A_40 = tpu.vector_load %arg11[%swap3A_39] {strides = array<i32>} : memref<256xi32, #tpu.memory_space<vmem>>, vector<16xi32>,
    tpu.vector_store %arg11[%swap3A_39], %broadcast_in_dim3A_5 {strides = array<i32>} : memref<256xi32, #tpu.memory_space<vmem>>, vector<16xi32>,
    %swap3A_41 = arith.constant 144 : index
    %swap3A_42 = tpu.vector_load %arg10[%swap3A_41] {strides = array<i32>} : memref<256xf32, #tpu.memory_space<vmem>>, vector<16xf32>,
    tpu.vector_store %arg10[%swap3A_41], %broadcast_in_dim3A_3 {strides = array<i32>} : memref<256xf32, #tpu.memory_space<vmem>>, vector<16xf32>,
    %swap3A_43 = arith.constant 144 : index
    %swap3A_44 = tpu.vector_load %arg11[%swap3A_43] {strides = array<i32>} : memref<256xi32, #tpu.memory_space<vmem>>, vector<16xi32>,
    tpu.vector_store %arg11[%swap3A_43], %broadcast_in_dim3A_5 {strides = array<i32>} : memref<256xi32, #tpu.memory_space<vmem>>, vector<16xi32>,
    %swap3A_45 = arith.constant 160 : index
    %swap3A_46 = tpu.vector_load %arg10[%swap3A_45] {strides = array<i32>} : memref<256xf32, #tpu.memory_space<vmem>>, vector<16xf32>,
    tpu.vector_store %arg10[%swap3A_45], %broadcast_in_dim3A_3 {strides = array<i32>} : memref<256xf32, #tpu.memory_space<vmem>>, vector<16xf32>,
    %swap3A_47 = arith.constant 160 : index
    %swap3A_48 = tpu.vector_load %arg11[%swap3A_47] {strides = array<i32>} : memref<256xi32, #tpu.memory_space<vmem>>, vector<16xi32>,
    tpu.vector_store %arg11[%swap3A_47], %broadcast_in_dim3A_5 {strides = array<i32>} : memref<256xi32, #tpu.memory_space<vmem>>, vector<16xi32>,
    %swap3A_49 = arith.constant 176 : index
    %swap3A_50 = tpu.vector_load %arg10[%swap3A_49] {strides = array<i32>} : memref<256xf32, #tpu.memory_space<vmem>>, vector<16xf32>,
    tpu.vector_store %arg10[%swap3A_49], %broadcast_in_dim3A_3 {strides = array<i32>} : memref<256xf32, #tpu.memory_space<vmem>>, vector<16xf32>,
    %swap3A_51 = arith.constant 176 : index
    %swap3A_52 = tpu.vector_load %arg11[%swap3A_51] {strides = array<i32>} : memref<256xi32, #tpu.memory_space<vmem>>, vector<16xi32>,
    tpu.vector_store %arg11[%swap3A_51], %broadcast_in_dim3A_5 {strides = array<i32>} : memref<256xi32, #tpu.memory_space<vmem>>, vector<16xi32>,
    %swap3A_53 = arith.constant 192 : index
    %swap3A_54 = tpu.vector_load %arg10[%swap3A_53] {strides = array<i32>} : memref<256xf32, #tpu.memory_space<vmem>>, vector<16xf32>,
    tpu.vector_store %arg10[%swap3A_53], %broadcast_in_dim3A_3 {strides = array<i32>} : memref<256xf32, #tpu.memory_space<vmem>>, vector<16xf32>,
    %swap3A_55 = arith.constant 192 : index
    %swap3A_56 = tpu.vector_load %arg11[%swap3A_55] {strides = array<i32>} : memref<256xi32, #tpu.memory_space<vmem>>, vector<16xi32>,
    tpu.vector_store %arg11[%swap3A_55], %broadcast_in_dim3A_5 {strides = array<i32>} : memref<256xi32, #tpu.memory_space<vmem>>, vector<16xi32>,
    %swap3A_57 = arith.constant 208 : index
    %swap3A_58 = tpu.vector_load %arg10[%swap3A_57] {strides = array<i32>} : memref<256xf32, #tpu.memory_space<vmem>>, vector<16xf32>,
    tpu.vector_store %arg10[%swap3A_57], %broadcast_in_dim3A_3 {strides = array<i32>} : memref<256xf32, #tpu.memory_space<vmem>>, vector<16xf32>,
    %swap3A_59 = arith.constant 208 : index
    %swap3A_60 = tpu.vector_load %arg11[%swap3A_59] {strides = array<i32>} : memref<256xi32, #tpu.memory_space<vmem>>, vector<16xi32>,
    tpu.vector_store %arg11[%swap3A_59], %broadcast_in_dim3A_5 {strides = array<i32>} : memref<256xi32, #tpu.memory_space<vmem>>, vector<16xi32>,
    %swap3A_61 = arith.constant 224 : index
    %swap3A_62 = tpu.vector_load %arg10[%swap3A_61] {strides = array<i32>} : memref<256xf32, #tpu.memory_space<vmem>>, vector<16xf32>,
    tpu.vector_store %arg10[%swap3A_61], %broadcast_in_dim3A_3 {strides = array<i32>} : memref<256xf32, #tpu.memory_space<vmem>>, vector<16xf32>,
    %swap3A_63 = arith.constant 224 : index
    %swap3A_64 = tpu.vector_load %arg11[%swap3A_63] {strides = array<i32>} : memref<256xi32, #tpu.memory_space<vmem>>, vector<16xi32>,
    tpu.vector_store %arg11[%swap3A_63], %broadcast_in_dim3A_5 {strides = array<i32>} : memref<256xi32, #tpu.memory_space<vmem>>, vector<16xi32>,
    %swap3A_65 = arith.constant 240 : index
    %swap3A_66 = tpu.vector_load %arg10[%swap3A_65] {strides = array<i32>} : memref<256xf32, #tpu.memory_space<vmem>>, vector<16xf32>,
    tpu.vector_store %arg10[%swap3A_65], %broadcast_in_dim3A_3 {strides = array<i32>} : memref<256xf32, #tpu.memory_space<vmem>>, vector<16xf32>,
    %swap3A_67 = arith.constant 240 : index
    %swap3A_68 = tpu.vector_load %arg11[%swap3A_67] {strides = array<i32>} : memref<256xi32, #tpu.memory_space<vmem>>, vector<16xi32>,
    tpu.vector_store %arg11[%swap3A_67], %broadcast_in_dim3A_5 {strides = array<i32>} : memref<256xi32, #tpu.memory_space<vmem>>, vector<16xi32>,
    %iota3A = tpu.iota {dimensions = array<i32: 0>} : vector<16xi32>
    %get3A = arith.constant 0 : index
    %get3A_69 = tpu.vector_load %arg9[%get3A] {strides = array<i32>} : memref<16xf32, #tpu.memory_space<vmem>>, vector<16xf32>,
    %scan3A = arith.constant 0 : i32
    %scan3A_70 = arith.constant 0 : i32
    %scan3A_71 = arith.constant 8 : i32
    %scan3A_72 = arith.addi %scan3A_70, %scan3A_71 : i32
    %scan3A_73 = arith.constant 1 : i32
    scf.for %scan3A_75 = %scan3A_70 to %scan3A_72 step %scan3A_73  : i32 {
      %mul3A_76 = arith.constant 16384 : i32
      %mul3A_77 = arith.muli %scan3A_75, %mul3A_76 : i32
      %add3A_78 = arith.addi %mul3A_2, %mul3A_77 : i32
      "tpu.region"() ({
        %run_scoped3A = tpu.sem_alloc : memref<!tpu.dma_semaphore, #tpu.memory_space<semaphore_mem>>
        %dma_start3A = tpu.memref_slice %arg2[%add3A_78] : memref<4194304xf32, #tpu.memory_space<hbm>> -> memref<16384xf32, #tpu.memory_space<hbm>>
        %dma_start3A_84 = tpu.memref_slice %arg2[%add3A_78] : memref<4194304xf32, #tpu.memory_space<hbm>> -> memref<16384xf32, #tpu.memory_space<hbm>>
        tpu.enqueue_dma source(%dma_start3A_84 : memref<16384xf32, #tpu.memory_space<hbm>>) target(%arg7 : memref<16384xf32, #tpu.memory_space<vmem>>) target_semaphore(%run_scoped3A : memref<!tpu.dma_semaphore, #tpu.memory_space<semaphore_mem>>)
        %dma_wait3A = tpu.memref_slice %arg2[%add3A_78] : memref<4194304xf32, #tpu.memory_space<hbm>> -> memref<16384xf32, #tpu.memory_space<hbm>>
        %dma_wait3A_85 = tpu.memref_slice %arg2[%add3A_78] : memref<4194304xf32, #tpu.memory_space<hbm>> -> memref<16384xf32, #tpu.memory_space<hbm>>
        tpu.wait_dma2 semaphore(%run_scoped3A : memref<!tpu.dma_semaphore, #tpu.memory_space<semaphore_mem>>) src(%dma_wait3A_85 : memref<16384xf32, #tpu.memory_space<hbm>>) dst(%arg7 : memref<16384xf32, #tpu.memory_space<vmem>>)
        tpu.yield
      }) : () -> ()
      "tpu.region"() ({
        %run_scoped3A = tpu.sem_alloc : memref<!tpu.dma_semaphore, #tpu.memory_space<semaphore_mem>>
        %dma_start3A = tpu.memref_slice %arg3[%add3A_78] : memref<4194304xi32, #tpu.memory_space<hbm>> -> memref<16384xi32, #tpu.memory_space<hbm>>
        %dma_start3A_84 = tpu.memref_slice %arg3[%add3A_78] : memref<4194304xi32, #tpu.memory_space<hbm>> -> memref<16384xi32, #tpu.memory_space<hbm>>
        tpu.enqueue_dma source(%dma_start3A_84 : memref<16384xi32, #tpu.memory_space<hbm>>) target(%arg8 : memref<16384xi32, #tpu.memory_space<vmem>>) target_semaphore(%run_scoped3A : memref<!tpu.dma_semaphore, #tpu.memory_space<semaphore_mem>>)
        %dma_wait3A = tpu.memref_slice %arg3[%add3A_78] : memref<4194304xi32, #tpu.memory_space<hbm>> -> memref<16384xi32, #tpu.memory_space<hbm>>
        %dma_wait3A_85 = tpu.memref_slice %arg3[%add3A_78] : memref<4194304xi32, #tpu.memory_space<hbm>> -> memref<16384xi32, #tpu.memory_space<hbm>>
        tpu.wait_dma2 semaphore(%run_scoped3A : memref<!tpu.dma_semaphore, #tpu.memory_space<semaphore_mem>>) src(%dma_wait3A_85 : memref<16384xi32, #tpu.memory_space<hbm>>) dst(%arg8 : memref<16384xi32, #tpu.memory_space<vmem>>)
        tpu.yield
      }) : () -> ()
      %scan3A_79 = arith.constant 0 : i32
      %scan3A_80 = arith.constant 1024 : i32
      %scan3A_81 = arith.addi %scan3A_79, %scan3A_80 : i32
      %scan3A_82 = arith.constant 4 : i32
      scf.for %scan3A_84 = %scan3A_79 to %scan3A_81 step %scan3A_82  : i32 {
        %mul3A_85 = arith.constant 16 : i32
        %mul3A_86 = arith.muli %scan3A_84, %mul3A_85 : i32
        %get3A_87 = arith.index_cast %mul3A_86 : i32 to index
        %get3A_88 = tpu.vector_load %arg7[%get3A_87] {strides = array<i32>} : memref<16384xf32, #tpu.memory_space<vmem>>, vector<16xf32>,
        %get3A_89 = arith.index_cast %mul3A_86 : i32 to index
        %get3A_90 = tpu.vector_load %arg8[%get3A_89] {strides = array<i32>} : memref<16384xi32, #tpu.memory_space<vmem>>, vector<16xi32>,
        %mul3A_91 = arith.constant 1.000000e+01 : f32
        %mul3A_92 = vector.broadcast %mul3A_91 : f32 to vector<16xf32>
        %mul3A_93 = arith.mulf %get3A_88, %mul3A_92 : vector<16xf32>
        %convert_element_type3A = arith.fptosi %mul3A_93 : vector<16xf32> to vector<16xi32>
        %lt3A = arith.constant 0 : i32
        %lt3A_94 = vector.broadcast %lt3A : i32 to vector<16xi32>
        %lt3A_95 = arith.cmpi slt, %convert_element_type3A, %lt3A_94 : vector<16xi32>
        %add3A_96 = arith.constant 16 : i32
        %add3A_97 = vector.broadcast %add3A_96 : i32 to vector<16xi32>
        %add3A_98 = arith.addi %convert_element_type3A, %add3A_97 : vector<16xi32>
        %select_n3A = arith.select %lt3A_95, %add3A_98, %convert_element_type3A : vector<16xi1>, vector<16xi32>
        %broadcast_in_dim3A_99 = vector.shape_cast %select_n3A : vector<16xi32> to vector<16x1xi32>
        %gather3A = vector.shape_cast %broadcast_in_dim3A_99 : vector<16x1xi32> to vector<16xi32>
        %gather3A_100 = tpu.dynamic_gather %get3A_69[%gather3A] in [0] : vector<16xf32>, vector<16xi32> -> vector<16xf32>
        %add3A_101 = arith.constant 1 : i32
        %add3A_102 = vector.broadcast %add3A_101 : i32 to vector<16xi32>
        %add3A_103 = arith.addi %convert_element_type3A, %add3A_102 : vector<16xi32>
        %lt3A_104 = arith.constant 0 : i32
        %lt3A_105 = vector.broadcast %lt3A_104 : i32 to vector<16xi32>
        %lt3A_106 = arith.cmpi slt, %add3A_103, %lt3A_105 : vector<16xi32>
        %add3A_107 = arith.constant 16 : i32
        %add3A_108 = vector.broadcast %add3A_107 : i32 to vector<16xi32>
        %add3A_109 = arith.addi %add3A_103, %add3A_108 : vector<16xi32>
        %select_n3A_110 = arith.select %lt3A_106, %add3A_109, %add3A_103 : vector<16xi1>, vector<16xi32>
        %broadcast_in_dim3A_111 = vector.shape_cast %select_n3A_110 : vector<16xi32> to vector<16x1xi32>
        %gather3A_112 = vector.shape_cast %broadcast_in_dim3A_111 : vector<16x1xi32> to vector<16xi32>
        %gather3A_113 = tpu.dynamic_gather %get3A_69[%gather3A_112] in [0] : vector<16xf32>, vector<16xi32> -> vector<16xf32>
        %add3A_114 = arith.constant 1 : i32
        %add3A_115 = vector.broadcast %add3A_114 : i32 to vector<16xi32>
        %add3A_116 = arith.addi %convert_element_type3A, %add3A_115 : vector<16xi32>
        %le3A = arith.cmpf ole, %get3A_88, %gather3A_100 : vector<16xf32>
        %jit3A = arith.constant 1 : i32
        %jit3A_117 = arith.constant 0 : i32
        %broadcast_in_dim3A_118 = vector.broadcast %jit3A : i32 to vector<16xi32>
        %broadcast_in_dim3A_119 = vector.broadcast %jit3A_117 : i32 to vector<16xi32>
        %select_n3A_120 = arith.select %le3A, %broadcast_in_dim3A_118, %broadcast_in_dim3A_119 : vector<16xi1>, vector<16xi32>
        %sub3A = arith.subi %add3A_116, %select_n3A_120 : vector<16xi32>
        %gt3A = arith.cmpf ogt, %get3A_88, %gather3A_113 : vector<16xf32>
        %jit3A_121 = arith.constant 1 : i32
        %jit3A_122 = arith.constant 0 : i32
        %broadcast_in_dim3A_123 = vector.broadcast %jit3A_121 : i32 to vector<16xi32>
        %broadcast_in_dim3A_124 = vector.broadcast %jit3A_122 : i32 to vector<16xi32>
        %select_n3A_125 = arith.select %gt3A, %broadcast_in_dim3A_123, %broadcast_in_dim3A_124 : vector<16xi1>, vector<16xi32>
        %add3A_126 = arith.addi %sub3A, %select_n3A_125 : vector<16xi32>
        %mul3A_127 = arith.constant 16 : i32
        %mul3A_128 = vector.broadcast %mul3A_127 : i32 to vector<16xi32>
        %mul3A_129 = arith.muli %add3A_126, %mul3A_128 : vector<16xi32>
        %add3A_130 = arith.addi %mul3A_129, %iota3A : vector<16xi32>
        %mul3A_131 = arith.constant 16384 : i32
        %mul3A_132 = vector.broadcast %mul3A_131 : i32 to vector<16xi32>
        %mul3A_133 = arith.muli %get3A_90, %mul3A_132 : vector<16xi32>
        %add3A_134 = arith.constant 1 : i32
        %add3A_135 = vector.broadcast %add3A_134 : i32 to vector<16xi32>
        %add3A_136 = arith.addi %mul3A_133, %add3A_135 : vector<16xi32>
        tpu.vector_store_idx %arg10[%add3A_130], %get3A_88 {add = true} : memref<256xf32, #tpu.memory_space<vmem>>[vector<16xi32>], vector<16xf32>,
        tpu.vector_store_idx %arg11[%add3A_130], %add3A_136 {add = true} : memref<256xi32, #tpu.memory_space<vmem>>[vector<16xi32>], vector<16xi32>,
        %scan3A_137 = arith.constant 1 : i32
        %scan3A_138 = arith.addi %scan3A_84, %scan3A_137 : i32
        %mul3A_139 = arith.constant 16 : i32
        %mul3A_140 = arith.muli %scan3A_138, %mul3A_139 : i32
        %get3A_141 = arith.index_cast %mul3A_140 : i32 to index
        %get3A_142 = tpu.vector_load %arg7[%get3A_141] {strides = array<i32>} : memref<16384xf32, #tpu.memory_space<vmem>>, vector<16xf32>,
        %get3A_143 = arith.index_cast %mul3A_140 : i32 to index
        %get3A_144 = tpu.vector_load %arg8[%get3A_143] {strides = array<i32>} : memref<16384xi32, #tpu.memory_space<vmem>>, vector<16xi32>,
        %mul3A_145 = arith.constant 1.000000e+01 : f32
        %mul3A_146 = vector.broadcast %mul3A_145 : f32 to vector<16xf32>
        %mul3A_147 = arith.mulf %get3A_142, %mul3A_146 : vector<16xf32>
        %convert_element_type3A_148 = arith.fptosi %mul3A_147 : vector<16xf32> to vector<16xi32>
        %lt3A_149 = arith.constant 0 : i32
        %lt3A_150 = vector.broadcast %lt3A_149 : i32 to vector<16xi32>
        %lt3A_151 = arith.cmpi slt, %convert_element_type3A_148, %lt3A_150 : vector<16xi32>
        %add3A_152 = arith.constant 16 : i32
        %add3A_153 = vector.broadcast %add3A_152 : i32 to vector<16xi32>
        %add3A_154 = arith.addi %convert_element_type3A_148, %add3A_153 : vector<16xi32>
        %select_n3A_155 = arith.select %lt3A_151, %add3A_154, %convert_element_type3A_148 : vector<16xi1>, vector<16xi32>
        %broadcast_in_dim3A_156 = vector.shape_cast %select_n3A_155 : vector<16xi32> to vector<16x1xi32>
        %gather3A_157 = vector.shape_cast %broadcast_in_dim3A_156 : vector<16x1xi32> to vector<16xi32>
        %gather3A_158 = tpu.dynamic_gather %get3A_69[%gather3A_157] in [0] : vector<16xf32>, vector<16xi32> -> vector<16xf32>
        %add3A_159 = arith.constant 1 : i32
        %add3A_160 = vector.broadcast %add3A_159 : i32 to vector<16xi32>
        %add3A_161 = arith.addi %convert_element_type3A_148, %add3A_160 : vector<16xi32>
        %lt3A_162 = arith.constant 0 : i32
        %lt3A_163 = vector.broadcast %lt3A_162 : i32 to vector<16xi32>
        %lt3A_164 = arith.cmpi slt, %add3A_161, %lt3A_163 : vector<16xi32>
        %add3A_165 = arith.constant 16 : i32
        %add3A_166 = vector.broadcast %add3A_165 : i32 to vector<16xi32>
        %add3A_167 = arith.addi %add3A_161, %add3A_166 : vector<16xi32>
        %select_n3A_168 = arith.select %lt3A_164, %add3A_167, %add3A_161 : vector<16xi1>, vector<16xi32>
        %broadcast_in_dim3A_169 = vector.shape_cast %select_n3A_168 : vector<16xi32> to vector<16x1xi32>
        %gather3A_170 = vector.shape_cast %broadcast_in_dim3A_169 : vector<16x1xi32> to vector<16xi32>
        %gather3A_171 = tpu.dynamic_gather %get3A_69[%gather3A_170] in [0] : vector<16xf32>, vector<16xi32> -> vector<16xf32>
        %add3A_172 = arith.constant 1 : i32
        %add3A_173 = vector.broadcast %add3A_172 : i32 to vector<16xi32>
        %add3A_174 = arith.addi %convert_element_type3A_148, %add3A_173 : vector<16xi32>
        %le3A_175 = arith.cmpf ole, %get3A_142, %gather3A_158 : vector<16xf32>
        %jit3A_176 = arith.constant 1 : i32
        %jit3A_177 = arith.constant 0 : i32
        %broadcast_in_dim3A_178 = vector.broadcast %jit3A_176 : i32 to vector<16xi32>
        %broadcast_in_dim3A_179 = vector.broadcast %jit3A_177 : i32 to vector<16xi32>
        %select_n3A_180 = arith.select %le3A_175, %broadcast_in_dim3A_178, %broadcast_in_dim3A_179 : vector<16xi1>, vector<16xi32>
        %sub3A_181 = arith.subi %add3A_174, %select_n3A_180 : vector<16xi32>
        %gt3A_182 = arith.cmpf ogt, %get3A_142, %gather3A_171 : vector<16xf32>
        %jit3A_183 = arith.constant 1 : i32
        %jit3A_184 = arith.constant 0 : i32
        %broadcast_in_dim3A_185 = vector.broadcast %jit3A_183 : i32 to vector<16xi32>
        %broadcast_in_dim3A_186 = vector.broadcast %jit3A_184 : i32 to vector<16xi32>
        %select_n3A_187 = arith.select %gt3A_182, %broadcast_in_dim3A_185, %broadcast_in_dim3A_186 : vector<16xi1>, vector<16xi32>
        %add3A_188 = arith.addi %sub3A_181, %select_n3A_187 : vector<16xi32>
        %mul3A_189 = arith.constant 16 : i32
        %mul3A_190 = vector.broadcast %mul3A_189 : i32 to vector<16xi32>
        %mul3A_191 = arith.muli %add3A_188, %mul3A_190 : vector<16xi32>
        %add3A_192 = arith.addi %mul3A_191, %iota3A : vector<16xi32>
        %mul3A_193 = arith.constant 16384 : i32
        %mul3A_194 = vector.broadcast %mul3A_193 : i32 to vector<16xi32>
        %mul3A_195 = arith.muli %get3A_144, %mul3A_194 : vector<16xi32>
        %add3A_196 = arith.constant 1 : i32
        %add3A_197 = vector.broadcast %add3A_196 : i32 to vector<16xi32>
        %add3A_198 = arith.addi %mul3A_195, %add3A_197 : vector<16xi32>
        tpu.vector_store_idx %arg10[%add3A_192], %get3A_142 {add = true} : memref<256xf32, #tpu.memory_space<vmem>>[vector<16xi32>], vector<16xf32>,
        tpu.vector_store_idx %arg11[%add3A_192], %add3A_198 {add = true} : memref<256xi32, #tpu.memory_space<vmem>>[vector<16xi32>], vector<16xi32>,
        %scan3A_199 = arith.constant 2 : i32
        %scan3A_200 = arith.addi %scan3A_84, %scan3A_199 : i32
        %mul3A_201 = arith.constant 16 : i32
        %mul3A_202 = arith.muli %scan3A_200, %mul3A_201 : i32
        %get3A_203 = arith.index_cast %mul3A_202 : i32 to index
        %get3A_204 = tpu.vector_load %arg7[%get3A_203] {strides = array<i32>} : memref<16384xf32, #tpu.memory_space<vmem>>, vector<16xf32>,
        %get3A_205 = arith.index_cast %mul3A_202 : i32 to index
        %get3A_206 = tpu.vector_load %arg8[%get3A_205] {strides = array<i32>} : memref<16384xi32, #tpu.memory_space<vmem>>, vector<16xi32>,
        %mul3A_207 = arith.constant 1.000000e+01 : f32
        %mul3A_208 = vector.broadcast %mul3A_207 : f32 to vector<16xf32>
        %mul3A_209 = arith.mulf %get3A_204, %mul3A_208 : vector<16xf32>
        %convert_element_type3A_210 = arith.fptosi %mul3A_209 : vector<16xf32> to vector<16xi32>
        %lt3A_211 = arith.constant 0 : i32
        %lt3A_212 = vector.broadcast %lt3A_211 : i32 to vector<16xi32>
        %lt3A_213 = arith.cmpi slt, %convert_element_type3A_210, %lt3A_212 : vector<16xi32>
        %add3A_214 = arith.constant 16 : i32
        %add3A_215 = vector.broadcast %add3A_214 : i32 to vector<16xi32>
        %add3A_216 = arith.addi %convert_element_type3A_210, %add3A_215 : vector<16xi32>
        %select_n3A_217 = arith.select %lt3A_213, %add3A_216, %convert_element_type3A_210 : vector<16xi1>, vector<16xi32>
        %broadcast_in_dim3A_218 = vector.shape_cast %select_n3A_217 : vector<16xi32> to vector<16x1xi32>
        %gather3A_219 = vector.shape_cast %broadcast_in_dim3A_218 : vector<16x1xi32> to vector<16xi32>
        %gather3A_220 = tpu.dynamic_gather %get3A_69[%gather3A_219] in [0] : vector<16xf32>, vector<16xi32> -> vector<16xf32>
        %add3A_221 = arith.constant 1 : i32
        %add3A_222 = vector.broadcast %add3A_221 : i32 to vector<16xi32>
        %add3A_223 = arith.addi %convert_element_type3A_210, %add3A_222 : vector<16xi32>
        %lt3A_224 = arith.constant 0 : i32
        %lt3A_225 = vector.broadcast %lt3A_224 : i32 to vector<16xi32>
        %lt3A_226 = arith.cmpi slt, %add3A_223, %lt3A_225 : vector<16xi32>
        %add3A_227 = arith.constant 16 : i32
        %add3A_228 = vector.broadcast %add3A_227 : i32 to vector<16xi32>
        %add3A_229 = arith.addi %add3A_223, %add3A_228 : vector<16xi32>
        %select_n3A_230 = arith.select %lt3A_226, %add3A_229, %add3A_223 : vector<16xi1>, vector<16xi32>
        %broadcast_in_dim3A_231 = vector.shape_cast %select_n3A_230 : vector<16xi32> to vector<16x1xi32>
        %gather3A_232 = vector.shape_cast %broadcast_in_dim3A_231 : vector<16x1xi32> to vector<16xi32>
        %gather3A_233 = tpu.dynamic_gather %get3A_69[%gather3A_232] in [0] : vector<16xf32>, vector<16xi32> -> vector<16xf32>
        %add3A_234 = arith.constant 1 : i32
        %add3A_235 = vector.broadcast %add3A_234 : i32 to vector<16xi32>
        %add3A_236 = arith.addi %convert_element_type3A_210, %add3A_235 : vector<16xi32>
        %le3A_237 = arith.cmpf ole, %get3A_204, %gather3A_220 : vector<16xf32>
        %jit3A_238 = arith.constant 1 : i32
        %jit3A_239 = arith.constant 0 : i32
        %broadcast_in_dim3A_240 = vector.broadcast %jit3A_238 : i32 to vector<16xi32>
        %broadcast_in_dim3A_241 = vector.broadcast %jit3A_239 : i32 to vector<16xi32>
        %select_n3A_242 = arith.select %le3A_237, %broadcast_in_dim3A_240, %broadcast_in_dim3A_241 : vector<16xi1>, vector<16xi32>
        %sub3A_243 = arith.subi %add3A_236, %select_n3A_242 : vector<16xi32>
        %gt3A_244 = arith.cmpf ogt, %get3A_204, %gather3A_233 : vector<16xf32>
        %jit3A_245 = arith.constant 1 : i32
        %jit3A_246 = arith.constant 0 : i32
        %broadcast_in_dim3A_247 = vector.broadcast %jit3A_245 : i32 to vector<16xi32>
        %broadcast_in_dim3A_248 = vector.broadcast %jit3A_246 : i32 to vector<16xi32>
        %select_n3A_249 = arith.select %gt3A_244, %broadcast_in_dim3A_247, %broadcast_in_dim3A_248 : vector<16xi1>, vector<16xi32>
        %add3A_250 = arith.addi %sub3A_243, %select_n3A_249 : vector<16xi32>
        %mul3A_251 = arith.constant 16 : i32
        %mul3A_252 = vector.broadcast %mul3A_251 : i32 to vector<16xi32>
        %mul3A_253 = arith.muli %add3A_250, %mul3A_252 : vector<16xi32>
        %add3A_254 = arith.addi %mul3A_253, %iota3A : vector<16xi32>
        %mul3A_255 = arith.constant 16384 : i32
        %mul3A_256 = vector.broadcast %mul3A_255 : i32 to vector<16xi32>
        %mul3A_257 = arith.muli %get3A_206, %mul3A_256 : vector<16xi32>
        %add3A_258 = arith.constant 1 : i32
        %add3A_259 = vector.broadcast %add3A_258 : i32 to vector<16xi32>
        %add3A_260 = arith.addi %mul3A_257, %add3A_259 : vector<16xi32>
        tpu.vector_store_idx %arg10[%add3A_254], %get3A_204 {add = true} : memref<256xf32, #tpu.memory_space<vmem>>[vector<16xi32>], vector<16xf32>,
        tpu.vector_store_idx %arg11[%add3A_254], %add3A_260 {add = true} : memref<256xi32, #tpu.memory_space<vmem>>[vector<16xi32>], vector<16xi32>,
        %scan3A_261 = arith.constant 3 : i32
        %scan3A_262 = arith.addi %scan3A_84, %scan3A_261 : i32
        %mul3A_263 = arith.constant 16 : i32
        %mul3A_264 = arith.muli %scan3A_262, %mul3A_263 : i32
        %get3A_265 = arith.index_cast %mul3A_264 : i32 to index
        %get3A_266 = tpu.vector_load %arg7[%get3A_265] {strides = array<i32>} : memref<16384xf32, #tpu.memory_space<vmem>>, vector<16xf32>,
        %get3A_267 = arith.index_cast %mul3A_264 : i32 to index
        %get3A_268 = tpu.vector_load %arg8[%get3A_267] {strides = array<i32>} : memref<16384xi32, #tpu.memory_space<vmem>>, vector<16xi32>,
        %mul3A_269 = arith.constant 1.000000e+01 : f32
        %mul3A_270 = vector.broadcast %mul3A_269 : f32 to vector<16xf32>
        %mul3A_271 = arith.mulf %get3A_266, %mul3A_270 : vector<16xf32>
        %convert_element_type3A_272 = arith.fptosi %mul3A_271 : vector<16xf32> to vector<16xi32>
        %lt3A_273 = arith.constant 0 : i32
        %lt3A_274 = vector.broadcast %lt3A_273 : i32 to vector<16xi32>
        %lt3A_275 = arith.cmpi slt, %convert_element_type3A_272, %lt3A_274 : vector<16xi32>
        %add3A_276 = arith.constant 16 : i32
        %add3A_277 = vector.broadcast %add3A_276 : i32 to vector<16xi32>
        %add3A_278 = arith.addi %convert_element_type3A_272, %add3A_277 : vector<16xi32>
        %select_n3A_279 = arith.select %lt3A_275, %add3A_278, %convert_element_type3A_272 : vector<16xi1>, vector<16xi32>
        %broadcast_in_dim3A_280 = vector.shape_cast %select_n3A_279 : vector<16xi32> to vector<16x1xi32>
        %gather3A_281 = vector.shape_cast %broadcast_in_dim3A_280 : vector<16x1xi32> to vector<16xi32>
        %gather3A_282 = tpu.dynamic_gather %get3A_69[%gather3A_281] in [0] : vector<16xf32>, vector<16xi32> -> vector<16xf32>
        %add3A_283 = arith.constant 1 : i32
        %add3A_284 = vector.broadcast %add3A_283 : i32 to vector<16xi32>
        %add3A_285 = arith.addi %convert_element_type3A_272, %add3A_284 : vector<16xi32>
        %lt3A_286 = arith.constant 0 : i32
        %lt3A_287 = vector.broadcast %lt3A_286 : i32 to vector<16xi32>
        %lt3A_288 = arith.cmpi slt, %add3A_285, %lt3A_287 : vector<16xi32>
        %add3A_289 = arith.constant 16 : i32
        %add3A_290 = vector.broadcast %add3A_289 : i32 to vector<16xi32>
        %add3A_291 = arith.addi %add3A_285, %add3A_290 : vector<16xi32>
        %select_n3A_292 = arith.select %lt3A_288, %add3A_291, %add3A_285 : vector<16xi1>, vector<16xi32>
        %broadcast_in_dim3A_293 = vector.shape_cast %select_n3A_292 : vector<16xi32> to vector<16x1xi32>
        %gather3A_294 = vector.shape_cast %broadcast_in_dim3A_293 : vector<16x1xi32> to vector<16xi32>
        %gather3A_295 = tpu.dynamic_gather %get3A_69[%gather3A_294] in [0] : vector<16xf32>, vector<16xi32> -> vector<16xf32>
        %add3A_296 = arith.constant 1 : i32
        %add3A_297 = vector.broadcast %add3A_296 : i32 to vector<16xi32>
        %add3A_298 = arith.addi %convert_element_type3A_272, %add3A_297 : vector<16xi32>
        %le3A_299 = arith.cmpf ole, %get3A_266, %gather3A_282 : vector<16xf32>
        %jit3A_300 = arith.constant 1 : i32
        %jit3A_301 = arith.constant 0 : i32
        %broadcast_in_dim3A_302 = vector.broadcast %jit3A_300 : i32 to vector<16xi32>
        %broadcast_in_dim3A_303 = vector.broadcast %jit3A_301 : i32 to vector<16xi32>
        %select_n3A_304 = arith.select %le3A_299, %broadcast_in_dim3A_302, %broadcast_in_dim3A_303 : vector<16xi1>, vector<16xi32>
        %sub3A_305 = arith.subi %add3A_298, %select_n3A_304 : vector<16xi32>
        %gt3A_306 = arith.cmpf ogt, %get3A_266, %gather3A_295 : vector<16xf32>
        %jit3A_307 = arith.constant 1 : i32
        %jit3A_308 = arith.constant 0 : i32
        %broadcast_in_dim3A_309 = vector.broadcast %jit3A_307 : i32 to vector<16xi32>
        %broadcast_in_dim3A_310 = vector.broadcast %jit3A_308 : i32 to vector<16xi32>
        %select_n3A_311 = arith.select %gt3A_306, %broadcast_in_dim3A_309, %broadcast_in_dim3A_310 : vector<16xi1>, vector<16xi32>
        %add3A_312 = arith.addi %sub3A_305, %select_n3A_311 : vector<16xi32>
        %mul3A_313 = arith.constant 16 : i32
        %mul3A_314 = vector.broadcast %mul3A_313 : i32 to vector<16xi32>
        %mul3A_315 = arith.muli %add3A_312, %mul3A_314 : vector<16xi32>
        %add3A_316 = arith.addi %mul3A_315, %iota3A : vector<16xi32>
        %mul3A_317 = arith.constant 16384 : i32
        %mul3A_318 = vector.broadcast %mul3A_317 : i32 to vector<16xi32>
        %mul3A_319 = arith.muli %get3A_268, %mul3A_318 : vector<16xi32>
        %add3A_320 = arith.constant 1 : i32
        %add3A_321 = vector.broadcast %add3A_320 : i32 to vector<16xi32>
        %add3A_322 = arith.addi %mul3A_319, %add3A_321 : vector<16xi32>
        tpu.vector_store_idx %arg10[%add3A_316], %get3A_266 {add = true} : memref<256xf32, #tpu.memory_space<vmem>>[vector<16xi32>], vector<16xf32>,
        tpu.vector_store_idx %arg11[%add3A_316], %add3A_322 {add = true} : memref<256xi32, #tpu.memory_space<vmem>>[vector<16xi32>], vector<16xi32>,
      }
      %scan3A_83 = arith.constant 1024 : i32
    }
    %scan3A_74 = arith.constant 8 : i32
    "tpu.region"() ({
      %run_scoped3A = tpu.sem_alloc : memref<!tpu.dma_semaphore, #tpu.memory_space<semaphore_mem>>
      %dma_start3A = arith.constant 0 : i32
      %dma_start3A_75 = tpu.memref_slice %arg5[%add3A, %dma_start3A] : memref<32x256xf32, #tpu.memory_space<hbm>> -> memref<1x256xf32, #tpu.memory_space<hbm>>
      %dma_start3A_76 = tpu.memref_squeeze %dma_start3A_75 : memref<1x256xf32, #tpu.memory_space<hbm>> -> memref<256xf32, #tpu.memory_space<hbm>>
      %dma_start3A_77 = arith.constant 0 : i32
      %dma_start3A_78 = tpu.memref_slice %arg5[%add3A, %dma_start3A_77] : memref<32x256xf32, #tpu.memory_space<hbm>> -> memref<1x256xf32, #tpu.memory_space<hbm>>
      %dma_start3A_79 = tpu.memref_squeeze %dma_start3A_78 : memref<1x256xf32, #tpu.memory_space<hbm>> -> memref<256xf32, #tpu.memory_space<hbm>>
      tpu.enqueue_dma source(%arg10 : memref<256xf32, #tpu.memory_space<vmem>>) target(%dma_start3A_79 : memref<256xf32, #tpu.memory_space<hbm>>) target_semaphore(%run_scoped3A : memref<!tpu.dma_semaphore, #tpu.memory_space<semaphore_mem>>)
      %dma_wait3A = arith.constant 0 : i32
      %dma_wait3A_80 = tpu.memref_slice %arg5[%add3A, %dma_wait3A] : memref<32x256xf32, #tpu.memory_space<hbm>> -> memref<1x256xf32, #tpu.memory_space<hbm>>
      %dma_wait3A_81 = tpu.memref_squeeze %dma_wait3A_80 : memref<1x256xf32, #tpu.memory_space<hbm>> -> memref<256xf32, #tpu.memory_space<hbm>>
      %dma_wait3A_82 = arith.constant 0 : i32
      %dma_wait3A_83 = tpu.memref_slice %arg5[%add3A, %dma_wait3A_82] : memref<32x256xf32, #tpu.memory_space<hbm>> -> memref<1x256xf32, #tpu.memory_space<hbm>>
      %dma_wait3A_84 = tpu.memref_squeeze %dma_wait3A_83 : memref<1x256xf32, #tpu.memory_space<hbm>> -> memref<256xf32, #tpu.memory_space<hbm>>
      tpu.wait_dma2 semaphore(%run_scoped3A : memref<!tpu.dma_semaphore, #tpu.memory_space<semaphore_mem>>) src(%arg10 : memref<256xf32, #tpu.memory_space<vmem>>) dst(%dma_wait3A_84 : memref<256xf32, #tpu.memory_space<hbm>>)
      tpu.yield
    }) : () -> ()
    "tpu.region"() ({
      %run_scoped3A = tpu.sem_alloc : memref<!tpu.dma_semaphore, #tpu.memory_space<semaphore_mem>>
      %dma_start3A = arith.constant 0 : i32
      %dma_start3A_75 = tpu.memref_slice %arg6[%add3A, %dma_start3A] : memref<32x256xi32, #tpu.memory_space<hbm>> -> memref<1x256xi32, #tpu.memory_space<hbm>>
      %dma_start3A_76 = tpu.memref_squeeze %dma_start3A_75 : memref<1x256xi32, #tpu.memory_space<hbm>> -> memref<256xi32, #tpu.memory_space<hbm>>
      %dma_start3A_77 = arith.constant 0 : i32
      %dma_start3A_78 = tpu.memref_slice %arg6[%add3A, %dma_start3A_77] : memref<32x256xi32, #tpu.memory_space<hbm>> -> memref<1x256xi32, #tpu.memory_space<hbm>>
      %dma_start3A_79 = tpu.memref_squeeze %dma_start3A_78 : memref<1x256xi32, #tpu.memory_space<hbm>> -> memref<256xi32, #tpu.memory_space<hbm>>
      tpu.enqueue_dma source(%arg11 : memref<256xi32, #tpu.memory_space<vmem>>) target(%dma_start3A_79 : memref<256xi32, #tpu.memory_space<hbm>>) target_semaphore(%run_scoped3A : memref<!tpu.dma_semaphore, #tpu.memory_space<semaphore_mem>>)
      %dma_wait3A = arith.constant 0 : i32
      %dma_wait3A_80 = tpu.memref_slice %arg6[%add3A, %dma_wait3A] : memref<32x256xi32, #tpu.memory_space<hbm>> -> memref<1x256xi32, #tpu.memory_space<hbm>>
      %dma_wait3A_81 = tpu.memref_squeeze %dma_wait3A_80 : memref<1x256xi32, #tpu.memory_space<hbm>> -> memref<256xi32, #tpu.memory_space<hbm>>
      %dma_wait3A_82 = arith.constant 0 : i32
      %dma_wait3A_83 = tpu.memref_slice %arg6[%add3A, %dma_wait3A_82] : memref<32x256xi32, #tpu.memory_space<hbm>> -> memref<1x256xi32, #tpu.memory_space<hbm>>
      %dma_wait3A_84 = tpu.memref_squeeze %dma_wait3A_83 : memref<1x256xi32, #tpu.memory_space<hbm>> -> memref<256xi32, #tpu.memory_space<hbm>>
      tpu.wait_dma2 semaphore(%run_scoped3A : memref<!tpu.dma_semaphore, #tpu.memory_space<semaphore_mem>>) src(%arg11 : memref<256xi32, #tpu.memory_space<vmem>>) dst(%dma_wait3A_84 : memref<256xi32, #tpu.memory_space<hbm>>)
      tpu.yield
    }) : () -> ()
    return
  }
}

</mosaic_0001>

<sc_bundles>
// kernel: _ece_sc.3.cloned.1.call-start
scs
__scs_entry_jumppad:
0x0: {  	(pc) =	sbr.rel $0x88, $3  }
0x1: {  	(tag) =	ssettag $0x0;
	lr =	simm.s32 $0x1  }
0x2: {  	[smem:$0x3F9E] =	sst lr;
	_ =	strace $0xD0000000  }
0x3: {  	_ = 	snop  }
0x4: {  	_ = 	snop  }
0x5: {  	_ = 	snop  }
0x6: {  	_ = 	snop  }
0x7: {  	_ = 	snop  }
__scs_overlays_trampoline_lowered:
0x8: {  	[smem:$0x3FAD] =	sst s0  }
0x9: {  	[smem:$0x3FAE] =	sst s1  }
0xa: {  	[smem:$0x3FAF] =	sst s2  }
0xb: {  	[smem:$0x3FB0] =	sst s3  }
0xc: {  	[smem:$0x3FB1] =	sst s4  }
0xd: {  	[smem:$0x3FB2] =	sst s5  }
0xe: {  	[smem:$0x3FB3] =	sst s6  }
0xf: {  	[smem:$0x3FB4] =	sst s7  }
0x10: {  	[smem:$0x3FB5] =	sst s8  }
0x11: {  	[smem:$0x3FB6] =	sst s9;
	s0 =	simm.s32 @!p0 $0x0  }
0x12: {  	s1 =	sld [smem:$0x3F9C];
	s0 =	simm.s32 @p0 $0x1  }
0x13: {  	[smem:$0x3FB7] =	sst s0;
	s0 =	simm.s32 @!p1 $0x0  }
0x14: {  	s2 =	sld [smem:$0x3F9B];
	s0 =	simm.s32 @p1 $0x1  }
0x15: {  	[smem:$0x3FB8] =	sst s0;
	s0 =	simm.s32 @!p2 $0x0  }
0x16: {  	s3 =	sld [smem:$0x3FDB];
	s0 =	simm.s32 @p2 $0x1  }
0x17: {  	s4 =	simm.s32 $0x1BF5;
	[smem:$0x3FBA] =	sst s0  }
0x18: {  	s0 =	sld [smem:$0x3F9D];
	_ =	swait.ge [sflag:s4], $0x0  }
0x19: {  	s7 =	sld [smem:$0x3F9E]  }
0x1a: {  	s8 =	sadd.s32 $0xFFFFE003, lr  }
0x1b: {  	s9 =	sadd.s32 $0xFFFFFEF7, lr;
	s5 =	simm.s32 $0xFFFFFFFF;
	p2 =	slt.u32 s8, $0xFFFFF086  }
0x1c: {  	p1 =	slt.u32 s9, $0xF7A;
	s5 =	simm.s32 @!p2 $0x0  }
0x1d: {  	s5 =	simm.s32 @p1 $0x1;
	p0 =	seq.s32 s7, s2  }
0x1e: {  	s7 =	smul.u32 @!p0 $0xF7A, s2;
	p2 =	seq.s32 @!p0 s5, $0x0  }
0x1f: {  	s9 =	smul.u32 $0xF7A, s1;
	s8 =	simm.s32 @!p0 $0x1BF5;
	p2 =	por !p2, p0  }
0x20: {  	[sflag:s8] =	ssyncset.s32 @!p0 $0xFFFFF086;
	s6 =	sadd.s32 @!p0 s3, s7;
	s7 =	simm.s32 @!p0 $0x108  }
0x21: {  	s3 =	sadd.s32 s3, s9;
	s6 =	sadd.s32 @!p0 $0x88, s6;
	s7 =	simm.s32 @p2 $0x1082  }
0x22: {  	[simem:s7], [sflag:s8] =	dma.local @!p0 [hbm:s6], $0xF7A  }
0x23: {  	s9 =	sor.u32 $0xD0000000, s2;
	s6 =	simm.s32 $0x108;
	_ =	swait.ge @!p0 [sflag:s8], $0x0  }
0x24: {  	s3 =	sadd.s32 $0x88, s3;
	s6 =	simm.s32 @!p1 $0x1082;
	[sflag:s4] =	ssyncset.s32 $0xFFFFF086  }
0x25: {  	[simem:s6], [sflag:s4] =	dma.local [hbm:s3], $0xF7A  }
0x26: {  	[smem:$0x3F9E] =	sst s1;
	(tag) =	ssettag s2;
	_ =	strace s9  }
0x27: {  	s1 =	sld [smem:$0x3FAE]  }
0x28: {  	s2 =	sld [smem:$0x3FAF]  }
0x29: {  	s4 =	sld [smem:$0x3FB1]  }
0x2a: {  	p0 =	seq.s32 s5, $0x0;
	s5 =	sld [smem:$0x3FB2]  }
0x2b: {  	s6 =	sld [smem:$0x3FB3]  }
0x2c: {  	s7 =	sld [smem:$0x3FB4]  }
0x2d: {  	s3 =	simm.s32 $0x108;
	s8 =	sld [smem:$0x3FB5]  }
0x2e: {  	s3 =	simm.s32 @!p0 $0x1082;
	s9 =	sld [smem:$0x3FB6]  }
0x2f: {  	lr =	sadd.s32 s0, s3;
	s0 =	sld [smem:$0x3FAD]  }
0x30: {  	s3 =	sld [smem:$0x3FB0]  }
0x31: {  	[smem:$0x3FB9] =	sst s10  }
0x32: {  	s10 =	sld [smem:$0x3FB7];
	_ =	sdelay $0x3  }
0x33: {  	p0 =	seq.s32 s10, $0x1;
	s10 =	sld [smem:$0x3FB9];
	_ =	sdelay $0x3  }
0x34: {  	[smem:$0x3FB9] =	sst s10  }
0x35: {  	s10 =	sld [smem:$0x3FB8];
	_ =	sdelay $0x3  }
0x36: {  	p1 =	seq.s32 s10, $0x1;
	s10 =	sld [smem:$0x3FB9];
	_ =	sdelay $0x3  }
0x37: {  	[smem:$0x3FB9] =	sst s10  }
0x38: {  	s10 =	sld [smem:$0x3FBA]  }
0x39: {  	_ = 	snop;
	(pc) =	sbr.ind lr, $3  }
0x3a: {  	_ = 	snop  }
0x3b: {  	_ = 	snop  }
0x3c: {  	p2 =	seq.s32 s10, $0x1;
	s10 =	sld [smem:$0x3FB9]  }
0x3d: {  	_ =	shalt  }
0x3e: {  	_ =	shalt  }
0x3f: {  	_ =	shalt  }
0x40: {  	_ =	shalt  }
0x41: {  	_ =	shalt  }
0x42: {  	_ =	shalt  }
0x43: {  	_ =	shalt  }
0x44: {  	_ =	shalt  }
0x45: {  	_ =	shalt  }
0x46: {  	_ =	shalt  }
0x47: {  	_ =	shalt  }
0x48: {  	_ =	shalt  }
0x49: {  	_ =	shalt  }
0x4a: {  	_ =	shalt  }
0x4b: {  	_ =	shalt  }
0x4c: {  	_ =	shalt  }
0x4d: {  	_ =	shalt  }
0x4e: {  	_ =	shalt  }
0x4f: {  	_ =	shalt  }
0x50: {  	_ =	shalt  }
0x51: {  	_ =	shalt  }
0x52: {  	_ =	shalt  }
0x53: {  	_ =	shalt  }
0x54: {  	_ =	shalt  }
0x55: {  	_ =	shalt  }
0x56: {  	_ =	shalt  }
0x57: {  	_ =	shalt  }
0x58: {  	_ =	shalt  }
0x59: {  	_ =	shalt  }
0x5a: {  	_ =	shalt  }
0x5b: {  	_ =	shalt  }
0x5c: {  	_ =	shalt  }
0x5d: {  	_ =	shalt  }
0x5e: {  	_ =	shalt  }
0x5f: {  	_ =	shalt  }
0x60: {  	_ =	shalt  }
0x61: {  	_ =	shalt  }
0x62: {  	_ =	shalt  }
0x63: {  	_ =	shalt  }
0x64: {  	_ =	shalt  }
0x65: {  	_ =	shalt  }
0x66: {  	_ =	shalt  }
0x67: {  	_ =	shalt  }
0x68: {  	_ =	shalt  }
0x69: {  	_ =	shalt  }
0x6a: {  	_ =	shalt  }
0x6b: {  	_ =	shalt  }
0x6c: {  	_ =	shalt  }
0x6d: {  	_ =	shalt  }
0x6e: {  	_ =	shalt  }
0x6f: {  	_ =	shalt  }
0x70: {  	_ =	shalt  }
0x71: {  	_ =	shalt  }
0x72: {  	_ =	shalt  }
0x73: {  	_ =	shalt  }
0x74: {  	_ =	shalt  }
0x75: {  	_ =	shalt  }
0x76: {  	_ =	shalt  }
0x77: {  	_ =	shalt  }
0x78: {  	_ =	shalt  }
0x79: {  	_ =	shalt  }
0x7a: {  	_ =	shalt  }
0x7b: {  	_ =	shalt  }
0x7c: {  	_ =	shalt  }
0x7d: {  	_ =	shalt  }
0x7e: {  	_ =	shalt  }
0x7f: {  	_ =	shalt  }
0x80: {  	_ =	shalt  }
0x81: {  	_ =	shalt  }
0x82: {  	_ =	shalt  }
0x83: {  	_ =	shalt  }
0x84: {  	_ =	shalt  }
0x85: {  	_ =	shalt  }
0x86: {  	_ =	shalt  }
0x87: {  	_ =	shalt  }
.Lfunc_end0:
.L_simem_size_0:
called_computation_lowered:
.L_overlay_start_0:
0x88: {  	s2 =	sld [smem:$0x3FD9]  }
0x89: {  	s3 =	sld [smem:$0x3FFE];
	_ =	sdelay $0x1  }
0x8a: {  	s1 =	srdreg.scid  }
0x8b: {  	s0 =	sand.u32 $0x1, s1  }
0x8c: {  	s15 =	sshll.u32 s0, $0xA;
	s2 =	sadd.s32 s3, s2  }
0x8d: {  	s2 =	sadd.s32 s2, s15  }
0x8e: {  	[smem:$0x3FC5] =	sst s2  }
0x8f: {  	_ = 	snop  }
0x90: {  	s2 =	sld [smem:$0x3FD0]  }
0x91: {  	s16 =	sld [smem:$0x3FC9]  }
0x92: {  	s4 =	sld [smem:$0x3FC8]  }
0x93: {  	s6 =	simm.s32 $0xA;
	s7 =	simm.s32 $0x10;
	s5 =	sld [smem:$0x3FC7]  }
0x94: {  	[smem:s7], [sflag:s6] =	dma.local [hbm:s2], $0x1  }
0x95: {  	_ =	swait.eq [sflag:s6], $0x1  }
0x96: {  	[sflag:s6] =	ssyncset.done $0x0  }
0x97: {  	s17 =	sld [smem:$0x10];
	[sflag:s6] =	ssyncadd.s32 $0xFFFFFFFF  }
0x98: {  	s18 =	sld [smem:$0x11];
	(tm) =	ssettm $0x1  }
0x99: {  	s19 =	sld [smem:$0x3FFB];
	_ =	sdelay $0x3  }
0x9a: {  	_ =	strace s19  }
0x9b: {  	s7 =	sld [smem:$0x3FFC];
	_ =	sdelay $0x3  }
0x9c: {  	_ =	strace s7  }
0x9d: {  	s7 =	sld [smem:$0x3FFD];
	_ =	sdelay $0x3  }
0x9e: {  	_ =	strace s7  }
0x9f: {  	_ =	strace $0x8FFFFFFF  }
0xa0: {  	s20 =	sld [smem:$0x3FDB];
	_ =	sdelay $0x1  }
0xa1: {  	s8 =	simm.s32 $_scs_section_size  }
0xa2: {  	s9 =	simm.s32 $_size__tile_overlayer_lowered;
	s10 =	simm.s32 $_tile_overlayer_lowered  }
0xa3: {  	s23 =	simm.s32 $0x1BFF;
	s22 =	sshll.u32 s10, $0x1;
	s7 =	sadd.s32 s8, s20  }
0xa4: {  	s11 =	simm.s32 $0x0;
	s21 =	sshll.u32 s9, $0x1;
	s9 =	sadd.s32 s22, s7  }
0xa5: {  	[timem:s11], [sflag:s23] =	dma.local [hbm:s9], s21  }
0xa6: {  	_ =	swait.ge [sflag:s23], s21  }
0xa7: {  	s8 =	ssub.s32 $0x0, s21;
	[sflag:s23] =	ssyncset.done $0x0  }
0xa8: {  	[sflag:s23] =	ssyncadd.s32 s8;
	_ =	sdelay $0x1  }
0xa9: {  	s24 =	simm.s32 $0x1B8B  }
0xaa: {  	_ =	swait.ge [sflag:s24], $0x1  }
0xab: {  	[sflag:s24] =	ssyncset.done $0x0  }
0xac: {  	s25 =	simm.s32 $0x1B8E;
	[sflag:s24] =	ssyncadd.s32 $0xFFFFFFFF  }
0xad: {  	s26 =	simm.s32 $execute0_lowered;
	[smem:$0x3FD2] =	sst s25  }
0xae: {  	s8 =	sshll.u32 s26, $0x1;
	_ =	strace $0x80000046;
	[dreg:$0x1] =	wrdreg $0xFFFFFFFF  }
0xaf: {  	s28 =	simm.s32 $_size_execute0_lowered;
	s7 =	sadd.s32 s7, s8;
	[dreg:$0x0] =	wrdreg $0x0  }
0xb0: {  	s8 =	sshll.u32 s28, $0x1;
	[dreg:$0x2] =	wrdreg s7  }
0xb1: {  	[dreg:$0x3] =	wrdreg s8  }
0xb2: {  	[dreg:$0x4] =	wrdreg $0xC0  }
0xb3: {  	_ =	task [dreg:s11], $0x5FFFF  }
0xb4: {  	[dreg:$0x1] =	wrdreg $0xFFFFFFFF  }
0xb5: {  	[dreg:$0x0] =	wrdreg $0x60  }
0xb6: {  	[dreg:$0x2] =	wrdreg s16  }
0xb7: {  	[dreg:$0x3] =	wrdreg s4  }
0xb8: {  	[dreg:$0x4] =	wrdreg s5  }
0xb9: {  	[dreg:$0x5] =	wrdreg s17  }
0xba: {  	[dreg:$0x6] =	wrdreg s18  }
0xbb: {  	[dreg:$0x7] =	wrdreg $0x9  }
0xbc: {  	_ =	task.clear_ibuf [dreg:s11], $0x8FFFF;
	_ =	strace $0x90000046  }
0xbd: {  	s29 =	simm.s32 $0x9;
	_ =	strace $0x80000048  }
0xbe: {  	_ =	swait.ge [sflag:s29], $0x1  }
0xbf: {  	[sflag:s29] =	ssyncadd.s32 $0xFFFFFFFF  }
0xc0: {  	_ =	strace $0x90000048  }
0xc1: {  	_ =	sfence  }
0xc2: {  	s30 =	sld [smem:$0x0];
	_ =	sdelay $0x2  }
0xc3: {  	s31 =	sshll.u32 s1, $0xD;
	s1 =	sshrl.u32 s1, $0x2  }
0xc4: {  	s3 =	sand.u32 $0x4000, s31;
	s1 =	sadd.s32 s1, s30  }
0xc5: {  	s0 =	sor.u32 s3, s0;
	s1 =	sshll.u32 s1, $0x11  }
0xc6: {  	s0 =	sor.u32 s1, s0  }
0xc7: {  	s0 =	sadd.s32 $0x8F2B, s0  }
0xc8: {  	[sflag:s0] =	ssyncadd.remote.s32 $0x1  }
0xc9: {  	_ =	sfence.sel $0xFFFF  }
0xca: {  	[dreg:$0x0] =	wrdreg $0xFFFFFFFF;
	(pc) =	sbr.abs _section_cstart, $3  }
0xcb: {  	[dreg:$0x1] =	wrdreg $0xFFFFFFFF  }
0xcc: {  	_ =	task.clear_ibuf [dreg:s11], $0x2FFFF;
	_ =	strace $0x9FFFFFFF  }
0xcd: {  	(tm) =	ssettm $0x7FFFFFFF  }
tec
execute0_lowered:
.L_overlay_start_1:
0x0: {  	(tag) =	ssettag $0x1  }
0x1: {  	s1 =	rddreg [dreg:$0x0]  }
0x2: {  	s2 =	rddreg [dreg:$0x1]  }
0x3: {  	s3 =	rddreg [dreg:$0x2]  }
0x4: {  	s7 =	rddreg [dreg:$0x3]  }
0x5: {  	s8 =	rddreg [dreg:$0x4]  }
0x6: {  	s0 =	rddreg [dreg:$0x5];
	s6 =	srdreg.scid  }
0x7: {  	s4 =	stileid.u32;
	s5 =	simm.s32 $0x0;
	s13 =	simm.s32 $0x8080  }
0x8: {  	s14 =	simm.s32 $0x8180;
	s15 =	simm.s32 $0x80;
	s16 =	simm.s32 $0x400  }
0x9: {  	s17 =	simm.s32 $0x0;
	s6 =	sand.u32 $0x1, s6;
	s9 =	sshll.u32 s4, $0x1  }
0xa: {  	[smem:$0x7FF] =	sst s5;
	s10 =	sshll.u32 s4, $0x6;
	s9 =	sor.u32 s6, s9  }
0xb: {  	s6 =	ssub.s32 $0x2, s6;
	s10 =	sand.u32 $0x300, s10;
	s11 =	sshll.u32 s9, $0x4  }
0xc: {  	_ =	strace $0x80000047;
	s12 =	sshrl.u32 s6, $0x1;
	s11 =	sand.u32 $0x70, s11  }
0xd: {  	s12 =	ssub.s32 s6, s12;
	s6 =	sshll.u32 s9, $0xE;
	s10 =	sor.u32 s10, s11  }
0xe: {  	s9 =	smax.u32 s12, $0x1;
	s11 =	simm.s32 $0x1;
	s12 =	simm.s32 $0x4000  }
0xf: {  	v0 =	vimm.f32 $0.0e+00;
	v1 =	vimm.s32 $0x0;
	v2 =	vlaneseq.u32;
	s7 =	sadd.s32 s7, s10;
	s8 =	sadd.s32 s8, s10;
	s10 =	simm.s32 $0x8000  }
.LBB2_1:
0x10: {  	[tilespmem:s10], [sflag:$0x1] =	stream.linear.gather [hbm4b:s3+s5], $0x80, $0x38;
	[tilespmem:$0x8280] =	vst v63  }
0x11: {  	_ =	swait.ge [sflag:s11], $0x80  }
0x12: {  	[sflag:s11] =	ssyncset.done $0x0  }
0x13: {  	[sflag:s11] =	ssyncadd.s32 $0xFFFFFF80  }
0x14: {  	[tilespmem:$0x8080] =	vst v0  }
0x15: {  	[tilespmem:$0x8180] =	vst v1  }
0x16: {  	[tilespmem:$0x8090] =	vst v0  }
0x17: {  	[tilespmem:$0x8190] =	vst v1  }
0x18: {  	[tilespmem:$0x80A0] =	vst v0  }
0x19: {  	[tilespmem:$0x81A0] =	vst v1  }
0x1a: {  	[tilespmem:$0x80B0] =	vst v0  }
0x1b: {  	[tilespmem:$0x81B0] =	vst v1  }
0x1c: {  	[tilespmem:$0x80C0] =	vst v0  }
0x1d: {  	[tilespmem:$0x81C0] =	vst v1  }
0x1e: {  	[tilespmem:$0x80D0] =	vst v0  }
0x1f: {  	[tilespmem:$0x81D0] =	vst v1  }
0x20: {  	[tilespmem:$0x80E0] =	vst v0  }
0x21: {  	[tilespmem:$0x81E0] =	vst v1  }
0x22: {  	[tilespmem:$0x80F0] =	vst v0  }
0x23: {  	[tilespmem:$0x81F0] =	vst v1  }
0x24: {  	[tilespmem:$0x8100] =	vst v0  }
0x25: {  	[tilespmem:$0x8200] =	vst v1  }
0x26: {  	[tilespmem:$0x8110] =	vst v0  }
0x27: {  	[tilespmem:$0x8210] =	vst v1  }
0x28: {  	[tilespmem:$0x8120] =	vst v0  }
0x29: {  	[tilespmem:$0x8220] =	vst v1  }
0x2a: {  	[tilespmem:$0x8130] =	vst v0  }
0x2b: {  	[tilespmem:$0x8230] =	vst v1  }
0x2c: {  	[tilespmem:$0x8140] =	vst v0  }
0x2d: {  	[tilespmem:$0x8240] =	vst v1  }
0x2e: {  	[tilespmem:$0x8150] =	vst v0  }
0x2f: {  	[tilespmem:$0x8250] =	vst v1  }
0x30: {  	[tilespmem:$0x8160] =	vst v0  }
0x31: {  	[tilespmem:$0x8260] =	vst v1  }
0x32: {  	[tilespmem:$0x8170] =	vst v0  }
0x33: {  	s18 =	simm.s32 $0x0;
	[tilespmem:$0x8270] =	vst v1;
	v3 =	vld [tilespmem:$0x8000]  }
.LBB2_2:
0x34: {  	s19 =	sshll.u32 s18, $0xB  }
0x35: {  	s19 =	sadd.s32 s6, s19  }
0x36: {  	s20 =	sadd.s32 s1, s19  }
0x37: {  	[tilespmem:s5], [sflag:$0x1] =	stream.linear.gather [hbm4b:s20+s5], $0x4000, $0x38;
	[tilespmem:$0x8280] =	vst v63  }
0x38: {  	_ =	swait.ge [sflag:s11], $0x4000  }
0x39: {  	[sflag:s11] =	ssyncset.done $0x0  }
0x3a: {  	s19 =	sadd.s32 s2, s19;
	[sflag:s11] =	ssyncadd.s32 $0xFFFFC000  }
0x3b: {  	[tilespmem:s12], [sflag:$0x1] =	stream.linear.gather [hbm4b:s19+s5], $0x4000, $0x38;
	[tilespmem:$0x8280] =	vst v63  }
0x3c: {  	_ =	swait.ge [sflag:s11], $0x4000  }
0x3d: {  	s21 =	simm.s32 $0x20;
	[sflag:s11] =	ssyncset.done $0x0  }
0x3e: {  	s20 =	simm.s32 $0x4020;
	s19 =	simm.s32 $0xFFFFFFFC;
	[sflag:s11] =	ssyncadd.s32 $0xFFFFC000  }
.LBB2_3:
0x3f: {  	v4 =	vld [tilespmem:s21+$0xFFFFFFE0];
	_ =	sdelay $0x4  }
0x40: {  	v5 =	vmul.f32 $1.000000000e+01, v4;
	_ =	sdelay $0x1  }
0x41: {  	v5 =	vtrunc.f32 v5  }
0x42: {  	v5 =	vcvt.f32.s32 v5;
	_ =	sdelay $0x1  }
0x43: {  	v6 =	vadd.s32 $0x1, v5  }
0x44: {  	v7 =	vadd.s32 $0x11, v5;
	vm0 =	vlt.s32 v6, $0x0  }
0x45: {  	v5 =	vperm.xlane v3, v5;
	v7 =	vsel vm0, v7, v6  }
0x46: {  	v7 =	vperm.xlane v3, v7  }
0x47: {  	vm5 =	vle.f32 v4, v5  }
0x48: {  	v5 =	vsel vm5, $0xFFFFFFFF, v1;
	vm6 =	vgt.f32 v4, v7  }
0x49: {  	v5 =	vadd.s32 v5, v6;
	v50 =	vsel vm6, $0x1, v1  }
0x4a: {  	v5 =	vadd.s32 v50, v5  }
0x4b: {  	v51 =	vld [tilespmem:s20+$0xFFFFFFE0];
	v5 =	vshll.u32 v5, $0x4  }
0x4c: {  	v5 =	vor.u32 v2, v5;
	_ =	sdelay $0x3  }
0x4d: {  	v6 =	vshll.u32 v51, $0xE  }
0x4e: {  	v6 =	vor.u32 $0x1, v6;
	[tilespmem:v5+s13+$0x0] =	vst.idx.add.f32.msk $0xffff, v4  }
0x4f: {  	[tilespmem:v5+s14+$0x0] =	vst.idx.add.s32.msk $0xffff, v6  }
0x50: {  	v4 =	vld [tilespmem:s21+$0xFFFFFFF0];
	_ =	sdelay $0x4  }
0x51: {  	v5 =	vmul.f32 $1.000000000e+01, v4;
	_ =	sdelay $0x1  }
0x52: {  	v5 =	vtrunc.f32 v5  }
0x53: {  	v5 =	vcvt.f32.s32 v5;
	_ =	sdelay $0x1  }
0x54: {  	v52 =	vadd.s32 $0x1, v5  }
0x55: {  	v53 =	vadd.s32 $0x11, v5;
	vm7 =	vlt.s32 v52, $0x0  }
0x56: {  	v5 =	vperm.xlane v3, v5;
	v7 =	vsel vm7, v53, v52  }
0x57: {  	v7 =	vperm.xlane v3, v7  }
0x58: {  	vm8 =	vle.f32 v4, v5  }
0x59: {  	v5 =	vsel vm8, $0xFFFFFFFF, v1;
	vm9 =	vgt.f32 v4, v7  }
0x5a: {  	v5 =	vadd.s32 v5, v52;
	v54 =	vsel vm9, $0x1, v1  }
0x5b: {  	v5 =	vadd.s32 v54, v5  }
0x5c: {  	v55 =	vld [tilespmem:s20+$0xFFFFFFF0];
	v5 =	vshll.u32 v5, $0x4  }
0x5d: {  	v5 =	vor.u32 v2, v5;
	_ =	sdelay $0x3  }
0x5e: {  	v6 =	vshll.u32 v55, $0xE  }
0x5f: {  	v6 =	vor.u32 $0x1, v6;
	[tilespmem:v5+s13+$0x0] =	vst.idx.add.f32.msk $0xffff, v4  }
0x60: {  	[tilespmem:v5+s14+$0x0] =	vst.idx.add.s32.msk $0xffff, v6  }
0x61: {  	v4 =	vld [tilespmem:s21+$0x0];
	_ =	sdelay $0x4  }
0x62: {  	v5 =	vmul.f32 $1.000000000e+01, v4;
	_ =	sdelay $0x1  }
0x63: {  	v5 =	vtrunc.f32 v5  }
0x64: {  	v5 =	vcvt.f32.s32 v5;
	_ =	sdelay $0x1  }
0x65: {  	v56 =	vadd.s32 $0x1, v5  }
0x66: {  	v57 =	vadd.s32 $0x11, v5;
	vm10 =	vlt.s32 v56, $0x0  }
0x67: {  	v5 =	vperm.xlane v3, v5;
	v7 =	vsel vm10, v57, v56  }
0x68: {  	v7 =	vperm.xlane v3, v7  }
0x69: {  	vm11 =	vle.f32 v4, v5  }
0x6a: {  	v5 =	vsel vm11, $0xFFFFFFFF, v1;
	vm12 =	vgt.f32 v4, v7  }
0x6b: {  	v5 =	vadd.s32 v5, v56;
	v58 =	vsel vm12, $0x1, v1  }
0x6c: {  	v5 =	vadd.s32 v58, v5  }
0x6d: {  	v59 =	vld [tilespmem:s20+$0x0];
	v5 =	vshll.u32 v5, $0x4  }
0x6e: {  	v5 =	vor.u32 v2, v5;
	_ =	sdelay $0x3  }
0x6f: {  	v6 =	vshll.u32 v59, $0xE  }
0x70: {  	v6 =	vor.u32 $0x1, v6;
	[tilespmem:v5+s13+$0x0] =	vst.idx.add.f32.msk $0xffff, v4  }
0x71: {  	[tilespmem:v5+s14+$0x0] =	vst.idx.add.s32.msk $0xffff, v6  }
0x72: {  	v4 =	vld [tilespmem:s21+$0x10];
	_ =	sdelay $0x4  }
0x73: {  	v5 =	vmul.f32 $1.000000000e+01, v4;
	_ =	sdelay $0x1  }
0x74: {  	v5 =	vtrunc.f32 v5  }
0x75: {  	v5 =	vcvt.f32.s32 v5;
	_ =	sdelay $0x1  }
0x76: {  	v60 =	vadd.s32 $0x1, v5  }
0x77: {  	v61 =	vadd.s32 $0x11, v5;
	vm13 =	vlt.s32 v60, $0x0  }
0x78: {  	v5 =	vperm.xlane v3, v5;
	v7 =	vsel vm13, v61, v60  }
0x79: {  	v7 =	vperm.xlane v3, v7  }
0x7a: {  	vm14 =	vle.f32 v4, v5  }
0x7b: {  	v5 =	vsel vm14, $0xFFFFFFFF, v1;
	vm15 =	vgt.f32 v4, v7  }
0x7c: {  	v5 =	vadd.s32 v5, v60;
	v62 =	vsel vm15, $0x1, v1  }
0x7d: {  	v5 =	vadd.s32 v62, v5  }
0x7e: {  	v63 =	vld [tilespmem:s20+$0x10];
	v5 =	vshll.u32 v5, $0x4  }
0x7f: {  	s19 =	sadd.s32 $0x4, s19;
	v5 =	vor.u32 v2, v5  }
0x80: {  	p0 =	slt.u32 s19, $0x3FC  }
.Ltmp0:
0x81: {  	_ = 	snop;
	(pc) =	sbr.rel @p0 .LBB2_3-.Ltmp0, $4  }
0x82: {  	_ = 	snop  }
0x83: {  	v6 =	vshll.u32 v63, $0xE  }
0x84: {  	v6 =	vor.u32 $0x1, v6;
	[tilespmem:v5+s13+$0x0] =	vst.idx.add.f32.msk $0xffff, v4  }
0x85: {  	s20 =	sadd.s32 $0x40, s20;
	s21 =	sadd.s32 $0x40, s21;
	[tilespmem:v5+s14+$0x0] =	vst.idx.add.s32.msk $0xffff, v6  }
0x86: {  	s18 =	sadd.s32 $0x1, s18  }
0x87: {  	p0 =	sne.s32 s18, $0x8  }
.Ltmp1:
0x88: {  	_ = 	snop;
	(pc) =	sbr.rel @p0 .LBB2_2-.Ltmp1, $1  }
0x89: {  	_ =	sdelay $0x3  }
0x8a: {  	[hbm4b:s7+s15] =	stream.strided.scatter [tilespmem:s13], [sflag:$0x1], $0x100, s16, s15, $0x38;
	[tilespmem:$0x8280] =	vst v63  }
0x8b: {  	s17 =	sadd.s32 $0x1, s17;
	_ =	swait.ge [sflag:s11], $0x100  }
0x8c: {  	p0 =	sne.s32 s17, s9;
	[sflag:s11] =	ssyncset.done $0x0  }
.Ltmp2:
0x8d: {  	[sflag:s11] =	ssyncadd.s32 $0xFFFFFF00;
	(pc) =	sbr.rel @p0 .LBB2_1-.Ltmp2, $4  }
0x8e: {  	[hbm4b:s8+s15] =	stream.strided.scatter [tilespmem:s14], [sflag:$0x1], $0x100, s16, s15, $0x38;
	[tilespmem:$0x8280] =	vst v63  }
0x8f: {  	_ =	swait.ge [sflag:s11], $0x100  }
0x90: {  	[sflag:s11] =	ssyncset.done $0x0  }
0x91: {  	[sflag:s11] =	ssyncadd.s32 $0xFFFFFF00  }
0x92: {  	_ =	sfence.sel $0x180000  }
0x93: {  	[bflag:$0x0] =	sbarrier.arrive $0xFFFF  }
0x94: {  	p0 =	sne.s32 s4, $0x0;
	_ =	strace $0x90000047  }
0x95: {  	s0 =	sadd.s32 @!p0 $0x100000, s0;
	[bflag:$0x2] =	sbarrier.arrive $0xFFFF  }
0x96: {  	[sflag:s0] =	ssyncadd.tile.s32 @!p0 $0x1;
	_ =	shalt  }
.Lfunc_end2:
_tile_overlayer_lowered:
.L_overlay_start_2:
0x97: {  	(tag) =	ssettag $0x2  }
0x98: {  	s0 =	rddreg [dreg:$0x0];
	s2 =	stileid.u32  }
0x99: {  	s1 =	rddreg [dreg:$0x1];
	p0 =	sne.s32 s2, $0x0  }
0x9a: {  	s3 =	rddreg [dreg:$0x2];
	[bflag:$0x3] =	sbarrier.arrive $0xFFFF;
	s2 =	simm.s32 @!p0 $0x1C01  }
0x9b: {  	[timem:s3], [sflag:s2] =	dma.local @!p0 [hbm:s0], s1  }
0x9c: {  	s0 =	simm.s32 @!p0 $0x1  }
0x9d: {  	_ =	swait.ge @!p0 [sflag:s0], s1  }
0x9e: {  	s1 =	ssub.s32 @!p0 $0x0, s1;
	[sflag:s0] =	ssyncset.done @!p0 $0x0  }
0x9f: {  	[sflag:s0] =	ssyncadd.s32 @!p0 s1  }
0xa0: {  	[bflag:$0x3] =	sbarrier.arrive $0xFFFF  }
0xa1: {  	_ =	shalt  }

</sc_bundles>
